<compile_context>
chip_gen: v7x
topology: tpu7x:2x2x1
jax: 0.10.2.dev20260603
libtpu: 0.0.44.dev20260713+nightly
codegen_flags: <defaults>
</compile_context>

<pallas_src>
import jax
import jax.numpy as jnp
from jax.experimental import pallas as pl

_BLK = 1024


def _rowsum64_sublane(sT):
    acc = sT[0:8, :]
    for a in range(1, 8):
        acc = acc + sT[8 * a:8 * a + 8, :]
    acc = acc[0:4, :] + acc[4:8, :]
    acc = acc[0:2, :] + acc[2:4, :]
    return acc[0:1, :] + acc[1:2, :]


def _rvq_body(xT_ref, w_inT_ref, b_inT_ref, cb0_ref, cb1_ref,
              cb0T_ref, cb1T_ref,
              c20_ref, c21_ref, w_outT_ref, b_outT_ref, o_ref):
    xT = xT_ref[...]
    zT = jnp.dot(w_inT_ref[...], xT, preferred_element_type=jnp.float32)
    zT = zT + b_inT_ref[...]

    def nearest_code(rT, cb, cbT, c2):
        r2 = _rowsum64_sublane(rT * rT)
        distT = r2 - 2.0 * jnp.dot(cb, rT, preferred_element_type=jnp.float32)
        distT = distT + c2
        ind = jnp.argmin(distT, axis=0)
        onehotT = (jax.lax.broadcasted_iota(jnp.int32, distT.shape, 0)
                   == ind[None, :]).astype(jnp.bfloat16)
        hi = cbT.astype(jnp.bfloat16)
        rem = cbT - hi.astype(jnp.float32)
        mid = rem.astype(jnp.bfloat16)
        lo = (rem - mid.astype(jnp.float32)).astype(jnp.bfloat16)
        sel = lambda limb: jnp.dot(limb, onehotT,
                                   preferred_element_type=jnp.float32)
        return (sel(hi) + sel(mid)) + sel(lo)

    code0T = nearest_code(zT, cb0_ref[...], cb0T_ref[...], c20_ref[...])
    code1T = nearest_code(zT - code0T, cb1_ref[...], cb1T_ref[...],
                          c21_ref[...])
    zqT = code0T + code1T
    outT = jnp.dot(w_outT_ref[...], zqT, preferred_element_type=jnp.float32)
    o_ref[...] = outT + b_outT_ref[...]


def _codebook_sqnorm(cb):
    s = cb * cb
    w = s.reshape(cb.shape[0], 8, 8)
    acc = w[:, 0, :]
    for a in range(1, 8):
        acc = acc + w[:, a, :]
    acc = acc[:, 0:4] + acc[:, 4:8]
    acc = acc[:, 0:2] + acc[:, 2:4]
    return acc[:, 0:1] + acc[:, 1:2]


def kernel(mel_frame, W_in, b_in, cb0, cb1, W_out, b_out):
    b, t, d_in = mel_frame.shape
    n = b * t
    d = W_in.shape[1]
    k = cb0.shape[0]
    xT = mel_frame.reshape(n, d_in).T
    c20 = _codebook_sqnorm(cb0)
    c21 = _codebook_sqnorm(cb1)
    full = lambda shape: pl.BlockSpec(shape, lambda i: (0, 0))
    outT = pl.pallas_call(
        _rvq_body,
        grid=(n // _BLK,),
        in_specs=[
            pl.BlockSpec((d_in, _BLK), lambda i: (0, i)),
            full((d, d_in)),
            full((d, 1)),
            full((k, d)),
            full((k, d)),
            full((d, k)),
            full((d, k)),
            full((k, 1)),
            full((k, 1)),
            full((d_in, d)),
            full((d_in, 1)),
        ],
        out_specs=pl.BlockSpec((d_in, _BLK), lambda i: (0, i)),
        out_shape=jax.ShapeDtypeStruct((d_in, n), jnp.float32),
    )(xT, W_in.T, b_in.reshape(d, 1), cb0, cb1, cb0.T, cb1.T,
      c20, c21, W_out.T, b_out.reshape(d_in, 1))
    return outT.T.reshape(b, t, d_in)

# --- scband reference (transcript-rebuilt; emitter-appended) ---
"""Pipeline reference for scband-rvq-58463094833503 (READ-ONLY COPY).

The authoritative reference and input builder live on the scoring server;
editing this copy changes nothing except your own understanding.
"""

import jax, jax.numpy as jnp
import numpy as np

B, T, D_IN, D, K = 16, 4096, 128, 64, 128

def setup_inputs(seed: int = 0) -> dict:
    key = jax.random.key(seed)
    ks = jax.random.split(key, 6)
    mel_frame = jax.random.normal(ks[0], (B, T, D_IN), dtype=jnp.float32)
    W_in = jax.random.normal(ks[1], (D_IN, D), dtype=jnp.float32) * 0.05
    b_in = jnp.zeros((D,), dtype=jnp.float32)
    cb0 = jax.random.normal(ks[2], (K, D), dtype=jnp.float32) * 0.05
    cb1 = jax.random.normal(ks[3], (K, D), dtype=jnp.float32) * 0.05
    W_out = jax.random.normal(ks[4], (D, D_IN), dtype=jnp.float32) * 0.05
    b_out = jnp.zeros((D_IN,), dtype=jnp.float32)
    return {"mel_frame": mel_frame, "W_in": W_in, "b_in": b_in, "cb0": cb0, "cb1": cb1, "W_out": W_out, "b_out": b_out}

def reference(mel_frame, W_in, b_in, cb0, cb1, W_out, b_out):
    # RVQ forward = encode (greedy 2-level residual quantization) + decode.
    b, t, _ = mel_frame.shape
    x = mel_frame.reshape(b * t, D_IN)
    # proj_in
    z = x @ W_in + b_in
    residual = z
    zq = jnp.zeros_like(z)
    idx_list = []
    for cb in (cb0, cb1):
        # squared Euclidean distance (B*T, K): ||r||^2 - 2 r.c + ||c||^2
        r2 = jnp.sum(residual * residual, axis=-1, keepdims=True)
        c2 = jnp.sum(cb * cb, axis=-1)[None, :]
        dist = r2 - 2.0 * (residual @ cb.T) + c2
        ind = jnp.argmin(dist, axis=-1)
        idx_list.append(ind)
        code = jnp.take(cb, ind, axis=0)
        residual = residual - code
        zq = zq + code
    # decode via proj_out
    mel_rec = zq @ W_out + b_out
    return mel_rec.reshape(b, t, D_IN)

if __name__ == "__main__":
    import jax
    _d = setup_inputs()
    print(jax.jit(kernel)(*tuple(_d.values())))

</pallas_src>

<mosaic_0001>
module attributes {stable_mosaic.version = 14 : i64} {
  func.func @_rvq_body(%arg0: i32, %arg1: memref<128x1024xf32, #tpu.memory_space<vmem>>, %arg2: memref<64x128xf32, #tpu.memory_space<vmem>>, %arg3: memref<64x1xf32, #tpu.memory_space<vmem>>, %arg4: memref<128x64xf32, #tpu.memory_space<vmem>>, %arg5: memref<128x64xf32, #tpu.memory_space<vmem>>, %arg6: memref<64x128xf32, #tpu.memory_space<vmem>>, %arg7: memref<64x128xf32, #tpu.memory_space<vmem>>, %arg8: memref<128x1xf32, #tpu.memory_space<vmem>>, %arg9: memref<128x1xf32, #tpu.memory_space<vmem>>, %arg10: memref<128x64xf32, #tpu.memory_space<vmem>>, %arg11: memref<128x1xf32, #tpu.memory_space<vmem>>, %arg12: memref<128x1024xf32, #tpu.memory_space<vmem>>) attributes {dimension_semantics = [#tpu.dimension_semantics<arbitrary>], iteration_bounds = array<i64: 64>, scalar_prefetch = 0 : i64, scratch_operands = 0 : i64, tpu.core_type = #tpu.core_type<tc>, window_params = [{transform_indices = @transform_0, window_bounds = array<i64: 128, 1024>}, {pipeline_mode = #tpu.pipeline_mode<synchronous>, transform_indices = @transform_1, window_bounds = array<i64: 64, 128>}, {pipeline_mode = #tpu.pipeline_mode<synchronous>, transform_indices = @transform_2, window_bounds = array<i64: 64, 1>}, {pipeline_mode = #tpu.pipeline_mode<synchronous>, transform_indices = @transform_3, window_bounds = array<i64: 128, 64>}, {pipeline_mode = #tpu.pipeline_mode<synchronous>, transform_indices = @transform_4, window_bounds = array<i64: 128, 64>}, {pipeline_mode = #tpu.pipeline_mode<synchronous>, transform_indices = @transform_5, window_bounds = array<i64: 64, 128>}, {pipeline_mode = #tpu.pipeline_mode<synchronous>, transform_indices = @transform_6, window_bounds = array<i64: 64, 128>}, {pipeline_mode = #tpu.pipeline_mode<synchronous>, transform_indices = @transform_7, window_bounds = array<i64: 128, 1>}, {pipeline_mode = #tpu.pipeline_mode<synchronous>, transform_indices = @transform_8, window_bounds = array<i64: 128, 1>}, {pipeline_mode = #tpu.pipeline_mode<synchronous>, transform_indices = @transform_9, window_bounds = array<i64: 128, 64>}, {pipeline_mode = #tpu.pipeline_mode<synchronous>, transform_indices = @transform_10, window_bounds = array<i64: 128, 1>}, {transform_indices = @transform_11, window_bounds = array<i64: 128, 1024>}]} {
    %get3A = arith.constant 0 : index
    %get3A_0 = arith.constant 0 : index
    %get3A_1 = vector.load %arg1[%get3A, %get3A_0] : memref<128x1024xf32, #tpu.memory_space<vmem>>, vector<128x1024xf32>
    %get3A_2 = arith.constant 0 : index
    %get3A_3 = arith.constant 0 : index
    %get3A_4 = vector.load %arg2[%get3A_2, %get3A_3] : memref<64x128xf32, #tpu.memory_space<vmem>>, vector<64x128xf32>
    %dot_general3A = arith.constant dense<0.000000e+00> : vector<64x1024xf32>
    %dot_general3A_5 = tpu.matmul %get3A_4, %get3A_1, %dot_general3A {dimension_numbers = #tpu.dot_dimension_numbers<[1], [0], [0], [1], [0, 0, 1, 1], [], []>, transpose_lhs_hint = false} : vector<64x128xf32>, vector<128x1024xf32>, vector<64x1024xf32> -> vector<64x1024xf32>
    %get3A_6 = arith.constant 0 : index
    %get3A_7 = arith.constant 0 : index
    %get3A_8 = vector.load %arg3[%get3A_6, %get3A_7] : memref<64x1xf32, #tpu.memory_space<vmem>>, vector<64x1xf32>
    %add3A = vector.broadcast %get3A_8 : vector<64x1xf32> to vector<64x1024xf32>
    %add3A_9 = arith.addf %dot_general3A_5, %add3A : vector<64x1024xf32>
    %get3A_10 = arith.constant 0 : index
    %get3A_11 = arith.constant 0 : index
    %get3A_12 = vector.load %arg4[%get3A_10, %get3A_11] : memref<128x64xf32, #tpu.memory_space<vmem>>, vector<128x64xf32>
    %get3A_13 = arith.constant 0 : index
    %get3A_14 = arith.constant 0 : index
    %get3A_15 = vector.load %arg6[%get3A_13, %get3A_14] : memref<64x128xf32, #tpu.memory_space<vmem>>, vector<64x128xf32>
    %get3A_16 = arith.constant 0 : index
    %get3A_17 = arith.constant 0 : index
    %get3A_18 = vector.load %arg8[%get3A_16, %get3A_17] : memref<128x1xf32, #tpu.memory_space<vmem>>, vector<128x1xf32>
    %mul3A = arith.mulf %add3A_9, %add3A_9 : vector<64x1024xf32>
    %slice3A = vector.extract_strided_slice %mul3A {offsets = [0, 0], sizes = [8, 1024], strides = [1, 1]} : vector<64x1024xf32> to vector<8x1024xf32>
    %slice3A_19 = vector.extract_strided_slice %mul3A {offsets = [8, 0], sizes = [8, 1024], strides = [1, 1]} : vector<64x1024xf32> to vector<8x1024xf32>
    %add3A_20 = arith.addf %slice3A, %slice3A_19 : vector<8x1024xf32>
    %slice3A_21 = vector.extract_strided_slice %mul3A {offsets = [16, 0], sizes = [8, 1024], strides = [1, 1]} : vector<64x1024xf32> to vector<8x1024xf32>
    %add3A_22 = arith.addf %add3A_20, %slice3A_21 : vector<8x1024xf32>
    %slice3A_23 = vector.extract_strided_slice %mul3A {offsets = [24, 0], sizes = [8, 1024], strides = [1, 1]} : vector<64x1024xf32> to vector<8x1024xf32>
    %add3A_24 = arith.addf %add3A_22, %slice3A_23 : vector<8x1024xf32>
    %slice3A_25 = vector.extract_strided_slice %mul3A {offsets = [32, 0], sizes = [8, 1024], strides = [1, 1]} : vector<64x1024xf32> to vector<8x1024xf32>
    %add3A_26 = arith.addf %add3A_24, %slice3A_25 : vector<8x1024xf32>
    %slice3A_27 = vector.extract_strided_slice %mul3A {offsets = [40, 0], sizes = [8, 1024], strides = [1, 1]} : vector<64x1024xf32> to vector<8x1024xf32>
    %add3A_28 = arith.addf %add3A_26, %slice3A_27 : vector<8x1024xf32>
    %slice3A_29 = vector.extract_strided_slice %mul3A {offsets = [48, 0], sizes = [8, 1024], strides = [1, 1]} : vector<64x1024xf32> to vector<8x1024xf32>
    %add3A_30 = arith.addf %add3A_28, %slice3A_29 : vector<8x1024xf32>
    %slice3A_31 = vector.extract_strided_slice %mul3A {offsets = [56, 0], sizes = [8, 1024], strides = [1, 1]} : vector<64x1024xf32> to vector<8x1024xf32>
    %add3A_32 = arith.addf %add3A_30, %slice3A_31 : vector<8x1024xf32>
    %slice3A_33 = vector.extract_strided_slice %add3A_32 {offsets = [0, 0], sizes = [4, 1024], strides = [1, 1]} : vector<8x1024xf32> to vector<4x1024xf32>
    %slice3A_34 = vector.extract_strided_slice %add3A_32 {offsets = [4, 0], sizes = [4, 1024], strides = [1, 1]} : vector<8x1024xf32> to vector<4x1024xf32>
    %add3A_35 = arith.addf %slice3A_33, %slice3A_34 : vector<4x1024xf32>
    %slice3A_36 = vector.extract_strided_slice %add3A_35 {offsets = [0, 0], sizes = [2, 1024], strides = [1, 1]} : vector<4x1024xf32> to vector<2x1024xf32>
    %slice3A_37 = vector.extract_strided_slice %add3A_35 {offsets = [2, 0], sizes = [2, 1024], strides = [1, 1]} : vector<4x1024xf32> to vector<2x1024xf32>
    %add3A_38 = arith.addf %slice3A_36, %slice3A_37 : vector<2x1024xf32>
    %slice3A_39 = vector.extract_strided_slice %add3A_38 {offsets = [0, 0], sizes = [1, 1024], strides = [1, 1]} : vector<2x1024xf32> to vector<1x1024xf32>
    %slice3A_40 = vector.extract_strided_slice %add3A_38 {offsets = [1, 0], sizes = [1, 1024], strides = [1, 1]} : vector<2x1024xf32> to vector<1x1024xf32>
    %add3A_41 = arith.addf %slice3A_39, %slice3A_40 : vector<1x1024xf32>
    %dot_general3A_42 = arith.constant dense<0.000000e+00> : vector<128x1024xf32>
    %dot_general3A_43 = tpu.matmul %get3A_12, %add3A_9, %dot_general3A_42 {dimension_numbers = #tpu.dot_dimension_numbers<[1], [0], [0], [1], [0, 0, 1, 1], [], []>, transpose_lhs_hint = false} : vector<128x64xf32>, vector<64x1024xf32>, vector<128x1024xf32> -> vector<128x1024xf32>
    %mul3A_44 = arith.constant 2.000000e+00 : f32
    %mul3A_45 = vector.broadcast %mul3A_44 : f32 to vector<128x1024xf32>
    %mul3A_46 = arith.mulf %mul3A_45, %dot_general3A_43 : vector<128x1024xf32>
    %sub3A = vector.broadcast %add3A_41 : vector<1x1024xf32> to vector<128x1024xf32>
    %sub3A_47 = arith.subf %sub3A, %mul3A_46 : vector<128x1024xf32>
    %add3A_48 = vector.broadcast %get3A_18 : vector<128x1xf32> to vector<128x1024xf32>
    %add3A_49 = arith.addf %sub3A_47, %add3A_48 : vector<128x1024xf32>
    %argmin3A = tpu.reduce_index %add3A_49 {axis = 0 : i32, kind = #tpu.reduction_kind<arg_min>} : vector<128x1024xf32> -> vector<1024xi32>
    %iota3A = tpu.iota {dimensions = array<i32: 0>} : vector<128x1024xi32>
    %broadcast_in_dim3A = vector.shape_cast %argmin3A : vector<1024xi32> to vector<1x1024xi32>
    %eq3A = vector.broadcast %broadcast_in_dim3A : vector<1x1024xi32> to vector<128x1024xi32>
    %eq3A_50 = arith.cmpi eq, %iota3A, %eq3A : vector<128x1024xi32>
    %convert_element_type3A = arith.extui %eq3A_50 : vector<128x1024xi1> to vector<128x1024xi32>
    %convert_element_type3A_51 = arith.sitofp %convert_element_type3A : vector<128x1024xi32> to vector<128x1024xf32>
    %convert_element_type3A_52 = arith.truncf %convert_element_type3A_51 : vector<128x1024xf32> to vector<128x1024xbf16>
    %convert_element_type3A_53 = arith.truncf %get3A_15 : vector<64x128xf32> to vector<64x128xbf16>
    %convert_element_type3A_54 = arith.extf %convert_element_type3A_53 : vector<64x128xbf16> to vector<64x128xf32>
    %sub3A_55 = arith.subf %get3A_15, %convert_element_type3A_54 : vector<64x128xf32>
    %convert_element_type3A_56 = arith.truncf %sub3A_55 : vector<64x128xf32> to vector<64x128xbf16>
    %convert_element_type3A_57 = arith.extf %convert_element_type3A_56 : vector<64x128xbf16> to vector<64x128xf32>
    %sub3A_58 = arith.subf %sub3A_55, %convert_element_type3A_57 : vector<64x128xf32>
    %convert_element_type3A_59 = arith.truncf %sub3A_58 : vector<64x128xf32> to vector<64x128xbf16>
    %dot_general3A_60 = arith.constant dense<0.000000e+00> : vector<64x1024xf32>
    %dot_general3A_61 = tpu.matmul %convert_element_type3A_53, %convert_element_type3A_52, %dot_general3A_60 {dimension_numbers = #tpu.dot_dimension_numbers<[1], [0], [0], [1], [0, 0, 1, 1], [], []>, transpose_lhs_hint = false} : vector<64x128xbf16>, vector<128x1024xbf16>, vector<64x1024xf32> -> vector<64x1024xf32>
    %dot_general3A_62 = arith.constant dense<0.000000e+00> : vector<64x1024xf32>
    %dot_general3A_63 = tpu.matmul %convert_element_type3A_56, %convert_element_type3A_52, %dot_general3A_62 {dimension_numbers = #tpu.dot_dimension_numbers<[1], [0], [0], [1], [0, 0, 1, 1], [], []>, transpose_lhs_hint = false} : vector<64x128xbf16>, vector<128x1024xbf16>, vector<64x1024xf32> -> vector<64x1024xf32>
    %add3A_64 = arith.addf %dot_general3A_61, %dot_general3A_63 : vector<64x1024xf32>
    %dot_general3A_65 = arith.constant dense<0.000000e+00> : vector<64x1024xf32>
    %dot_general3A_66 = tpu.matmul %convert_element_type3A_59, %convert_element_type3A_52, %dot_general3A_65 {dimension_numbers = #tpu.dot_dimension_numbers<[1], [0], [0], [1], [0, 0, 1, 1], [], []>, transpose_lhs_hint = false} : vector<64x128xbf16>, vector<128x1024xbf16>, vector<64x1024xf32> -> vector<64x1024xf32>
    %add3A_67 = arith.addf %add3A_64, %dot_general3A_66 : vector<64x1024xf32>
    %sub3A_68 = arith.subf %add3A_9, %add3A_67 : vector<64x1024xf32>
    %get3A_69 = arith.constant 0 : index
    %get3A_70 = arith.constant 0 : index
    %get3A_71 = vector.load %arg5[%get3A_69, %get3A_70] : memref<128x64xf32, #tpu.memory_space<vmem>>, vector<128x64xf32>
    %get3A_72 = arith.constant 0 : index
    %get3A_73 = arith.constant 0 : index
    %get3A_74 = vector.load %arg7[%get3A_72, %get3A_73] : memref<64x128xf32, #tpu.memory_space<vmem>>, vector<64x128xf32>
    %get3A_75 = arith.constant 0 : index
    %get3A_76 = arith.constant 0 : index
    %get3A_77 = vector.load %arg9[%get3A_75, %get3A_76] : memref<128x1xf32, #tpu.memory_space<vmem>>, vector<128x1xf32>
    %mul3A_78 = arith.mulf %sub3A_68, %sub3A_68 : vector<64x1024xf32>
    %slice3A_79 = vector.extract_strided_slice %mul3A_78 {offsets = [0, 0], sizes = [8, 1024], strides = [1, 1]} : vector<64x1024xf32> to vector<8x1024xf32>
    %slice3A_80 = vector.extract_strided_slice %mul3A_78 {offsets = [8, 0], sizes = [8, 1024], strides = [1, 1]} : vector<64x1024xf32> to vector<8x1024xf32>
    %add3A_81 = arith.addf %slice3A_79, %slice3A_80 : vector<8x1024xf32>
    %slice3A_82 = vector.extract_strided_slice %mul3A_78 {offsets = [16, 0], sizes = [8, 1024], strides = [1, 1]} : vector<64x1024xf32> to vector<8x1024xf32>
    %add3A_83 = arith.addf %add3A_81, %slice3A_82 : vector<8x1024xf32>
    %slice3A_84 = vector.extract_strided_slice %mul3A_78 {offsets = [24, 0], sizes = [8, 1024], strides = [1, 1]} : vector<64x1024xf32> to vector<8x1024xf32>
    %add3A_85 = arith.addf %add3A_83, %slice3A_84 : vector<8x1024xf32>
    %slice3A_86 = vector.extract_strided_slice %mul3A_78 {offsets = [32, 0], sizes = [8, 1024], strides = [1, 1]} : vector<64x1024xf32> to vector<8x1024xf32>
    %add3A_87 = arith.addf %add3A_85, %slice3A_86 : vector<8x1024xf32>
    %slice3A_88 = vector.extract_strided_slice %mul3A_78 {offsets = [40, 0], sizes = [8, 1024], strides = [1, 1]} : vector<64x1024xf32> to vector<8x1024xf32>
    %add3A_89 = arith.addf %add3A_87, %slice3A_88 : vector<8x1024xf32>
    %slice3A_90 = vector.extract_strided_slice %mul3A_78 {offsets = [48, 0], sizes = [8, 1024], strides = [1, 1]} : vector<64x1024xf32> to vector<8x1024xf32>
    %add3A_91 = arith.addf %add3A_89, %slice3A_90 : vector<8x1024xf32>
    %slice3A_92 = vector.extract_strided_slice %mul3A_78 {offsets = [56, 0], sizes = [8, 1024], strides = [1, 1]} : vector<64x1024xf32> to vector<8x1024xf32>
    %add3A_93 = arith.addf %add3A_91, %slice3A_92 : vector<8x1024xf32>
    %slice3A_94 = vector.extract_strided_slice %add3A_93 {offsets = [0, 0], sizes = [4, 1024], strides = [1, 1]} : vector<8x1024xf32> to vector<4x1024xf32>
    %slice3A_95 = vector.extract_strided_slice %add3A_93 {offsets = [4, 0], sizes = [4, 1024], strides = [1, 1]} : vector<8x1024xf32> to vector<4x1024xf32>
    %add3A_96 = arith.addf %slice3A_94, %slice3A_95 : vector<4x1024xf32>
    %slice3A_97 = vector.extract_strided_slice %add3A_96 {offsets = [0, 0], sizes = [2, 1024], strides = [1, 1]} : vector<4x1024xf32> to vector<2x1024xf32>
    %slice3A_98 = vector.extract_strided_slice %add3A_96 {offsets = [2, 0], sizes = [2, 1024], strides = [1, 1]} : vector<4x1024xf32> to vector<2x1024xf32>
    %add3A_99 = arith.addf %slice3A_97, %slice3A_98 : vector<2x1024xf32>
    %slice3A_100 = vector.extract_strided_slice %add3A_99 {offsets = [0, 0], sizes = [1, 1024], strides = [1, 1]} : vector<2x1024xf32> to vector<1x1024xf32>
    %slice3A_101 = vector.extract_strided_slice %add3A_99 {offsets = [1, 0], sizes = [1, 1024], strides = [1, 1]} : vector<2x1024xf32> to vector<1x1024xf32>
    %add3A_102 = arith.addf %slice3A_100, %slice3A_101 : vector<1x1024xf32>
    %dot_general3A_103 = arith.constant dense<0.000000e+00> : vector<128x1024xf32>
    %dot_general3A_104 = tpu.matmul %get3A_71, %sub3A_68, %dot_general3A_103 {dimension_numbers = #tpu.dot_dimension_numbers<[1], [0], [0], [1], [0, 0, 1, 1], [], []>, transpose_lhs_hint = false} : vector<128x64xf32>, vector<64x1024xf32>, vector<128x1024xf32> -> vector<128x1024xf32>
    %mul3A_105 = arith.constant 2.000000e+00 : f32
    %mul3A_106 = vector.broadcast %mul3A_105 : f32 to vector<128x1024xf32>
    %mul3A_107 = arith.mulf %mul3A_106, %dot_general3A_104 : vector<128x1024xf32>
    %sub3A_108 = vector.broadcast %add3A_102 : vector<1x1024xf32> to vector<128x1024xf32>
    %sub3A_109 = arith.subf %sub3A_108, %mul3A_107 : vector<128x1024xf32>
    %add3A_110 = vector.broadcast %get3A_77 : vector<128x1xf32> to vector<128x1024xf32>
    %add3A_111 = arith.addf %sub3A_109, %add3A_110 : vector<128x1024xf32>
    %argmin3A_112 = tpu.reduce_index %add3A_111 {axis = 0 : i32, kind = #tpu.reduction_kind<arg_min>} : vector<128x1024xf32> -> vector<1024xi32>
    %iota3A_113 = tpu.iota {dimensions = array<i32: 0>} : vector<128x1024xi32>
    %broadcast_in_dim3A_114 = vector.shape_cast %argmin3A_112 : vector<1024xi32> to vector<1x1024xi32>
    %eq3A_115 = vector.broadcast %broadcast_in_dim3A_114 : vector<1x1024xi32> to vector<128x1024xi32>
    %eq3A_116 = arith.cmpi eq, %iota3A_113, %eq3A_115 : vector<128x1024xi32>
    %convert_element_type3A_117 = arith.extui %eq3A_116 : vector<128x1024xi1> to vector<128x1024xi32>
    %convert_element_type3A_118 = arith.sitofp %convert_element_type3A_117 : vector<128x1024xi32> to vector<128x1024xf32>
    %convert_element_type3A_119 = arith.truncf %convert_element_type3A_118 : vector<128x1024xf32> to vector<128x1024xbf16>
    %convert_element_type3A_120 = arith.truncf %get3A_74 : vector<64x128xf32> to vector<64x128xbf16>
    %convert_element_type3A_121 = arith.extf %convert_element_type3A_120 : vector<64x128xbf16> to vector<64x128xf32>
    %sub3A_122 = arith.subf %get3A_74, %convert_element_type3A_121 : vector<64x128xf32>
    %convert_element_type3A_123 = arith.truncf %sub3A_122 : vector<64x128xf32> to vector<64x128xbf16>
    %convert_element_type3A_124 = arith.extf %convert_element_type3A_123 : vector<64x128xbf16> to vector<64x128xf32>
    %sub3A_125 = arith.subf %sub3A_122, %convert_element_type3A_124 : vector<64x128xf32>
    %convert_element_type3A_126 = arith.truncf %sub3A_125 : vector<64x128xf32> to vector<64x128xbf16>
    %dot_general3A_127 = arith.constant dense<0.000000e+00> : vector<64x1024xf32>
    %dot_general3A_128 = tpu.matmul %convert_element_type3A_120, %convert_element_type3A_119, %dot_general3A_127 {dimension_numbers = #tpu.dot_dimension_numbers<[1], [0], [0], [1], [0, 0, 1, 1], [], []>, transpose_lhs_hint = false} : vector<64x128xbf16>, vector<128x1024xbf16>, vector<64x1024xf32> -> vector<64x1024xf32>
    %dot_general3A_129 = arith.constant dense<0.000000e+00> : vector<64x1024xf32>
    %dot_general3A_130 = tpu.matmul %convert_element_type3A_123, %convert_element_type3A_119, %dot_general3A_129 {dimension_numbers = #tpu.dot_dimension_numbers<[1], [0], [0], [1], [0, 0, 1, 1], [], []>, transpose_lhs_hint = false} : vector<64x128xbf16>, vector<128x1024xbf16>, vector<64x1024xf32> -> vector<64x1024xf32>
    %add3A_131 = arith.addf %dot_general3A_128, %dot_general3A_130 : vector<64x1024xf32>
    %dot_general3A_132 = arith.constant dense<0.000000e+00> : vector<64x1024xf32>
    %dot_general3A_133 = tpu.matmul %convert_element_type3A_126, %convert_element_type3A_119, %dot_general3A_132 {dimension_numbers = #tpu.dot_dimension_numbers<[1], [0], [0], [1], [0, 0, 1, 1], [], []>, transpose_lhs_hint = false} : vector<64x128xbf16>, vector<128x1024xbf16>, vector<64x1024xf32> -> vector<64x1024xf32>
    %add3A_134 = arith.addf %add3A_131, %dot_general3A_133 : vector<64x1024xf32>
    %add3A_135 = arith.addf %add3A_67, %add3A_134 : vector<64x1024xf32>
    %get3A_136 = arith.constant 0 : index
    %get3A_137 = arith.constant 0 : index
    %get3A_138 = vector.load %arg10[%get3A_136, %get3A_137] : memref<128x64xf32, #tpu.memory_space<vmem>>, vector<128x64xf32>
    %dot_general3A_139 = arith.constant dense<0.000000e+00> : vector<128x1024xf32>
    %dot_general3A_140 = tpu.matmul %get3A_138, %add3A_135, %dot_general3A_139 {dimension_numbers = #tpu.dot_dimension_numbers<[1], [0], [0], [1], [0, 0, 1, 1], [], []>, transpose_lhs_hint = false} : vector<128x64xf32>, vector<64x1024xf32>, vector<128x1024xf32> -> vector<128x1024xf32>
    %get3A_141 = arith.constant 0 : index
    %get3A_142 = arith.constant 0 : index
    %get3A_143 = vector.load %arg11[%get3A_141, %get3A_142] : memref<128x1xf32, #tpu.memory_space<vmem>>, vector<128x1xf32>
    %add3A_144 = vector.broadcast %get3A_143 : vector<128x1xf32> to vector<128x1024xf32>
    %add3A_145 = arith.addf %dot_general3A_140, %add3A_144 : vector<128x1024xf32>
    %swap3A = arith.constant 0 : index
    %swap3A_146 = arith.constant 0 : index
    %swap3A_147 = vector.load %arg12[%swap3A, %swap3A_146] : memref<128x1024xf32, #tpu.memory_space<vmem>>, vector<128x1024xf32>
    tpu.vector_store %arg12[%swap3A, %swap3A_146], %add3A_145 {strides = array<i32>} : memref<128x1024xf32, #tpu.memory_space<vmem>>, vector<128x1024xf32>,
    return
  }
  func.func @transform_0(%arg0: i32) -> (i32, i32) {
    %c0_i32 = arith.constant 0 : i32
    %c0_i32_0 = arith.constant 0 : i32
    return %c0_i32, %arg0 : i32, i32
  }
  func.func @transform_1(%arg0: i32) -> (i32, i32) {
    %c0_i32 = arith.constant 0 : i32
    %c0_i32_0 = arith.constant 0 : i32
    %c0_i32_1 = arith.constant 0 : i32
    return %c0_i32, %c0_i32_0 : i32, i32
  }
  func.func @transform_2(%arg0: i32) -> (i32, i32) {
    %c0_i32 = arith.constant 0 : i32
    %c0_i32_0 = arith.constant 0 : i32
    %c0_i32_1 = arith.constant 0 : i32
    return %c0_i32, %c0_i32_0 : i32, i32
  }
  func.func @transform_3(%arg0: i32) -> (i32, i32) {
    %c0_i32 = arith.constant 0 : i32
    %c0_i32_0 = arith.constant 0 : i32
    %c0_i32_1 = arith.constant 0 : i32
    return %c0_i32, %c0_i32_0 : i32, i32
  }
  func.func @transform_4(%arg0: i32) -> (i32, i32) {
    %c0_i32 = arith.constant 0 : i32
    %c0_i32_0 = arith.constant 0 : i32
    %c0_i32_1 = arith.constant 0 : i32
    return %c0_i32, %c0_i32_0 : i32, i32
  }
  func.func @transform_5(%arg0: i32) -> (i32, i32) {
    %c0_i32 = arith.constant 0 : i32
    %c0_i32_0 = arith.constant 0 : i32
    %c0_i32_1 = arith.constant 0 : i32
    return %c0_i32, %c0_i32_0 : i32, i32
  }
  func.func @transform_6(%arg0: i32) -> (i32, i32) {
    %c0_i32 = arith.constant 0 : i32
    %c0_i32_0 = arith.constant 0 : i32
    %c0_i32_1 = arith.constant 0 : i32
    return %c0_i32, %c0_i32_0 : i32, i32
  }
  func.func @transform_7(%arg0: i32) -> (i32, i32) {
    %c0_i32 = arith.constant 0 : i32
    %c0_i32_0 = arith.constant 0 : i32
    %c0_i32_1 = arith.constant 0 : i32
    return %c0_i32, %c0_i32_0 : i32, i32
  }
  func.func @transform_8(%arg0: i32) -> (i32, i32) {
    %c0_i32 = arith.constant 0 : i32
    %c0_i32_0 = arith.constant 0 : i32
    %c0_i32_1 = arith.constant 0 : i32
    return %c0_i32, %c0_i32_0 : i32, i32
  }
  func.func @transform_9(%arg0: i32) -> (i32, i32) {
    %c0_i32 = arith.constant 0 : i32
    %c0_i32_0 = arith.constant 0 : i32
    %c0_i32_1 = arith.constant 0 : i32
    return %c0_i32, %c0_i32_0 : i32, i32
  }
  func.func @transform_10(%arg0: i32) -> (i32, i32) {
    %c0_i32 = arith.constant 0 : i32
    %c0_i32_0 = arith.constant 0 : i32
    %c0_i32_1 = arith.constant 0 : i32
    return %c0_i32, %c0_i32_0 : i32, i32
  }
  func.func @transform_11(%arg0: i32) -> (i32, i32) {
    %c0_i32 = arith.constant 0 : i32
    %c0_i32_0 = arith.constant 0 : i32
    return %c0_i32, %arg0 : i32, i32
  }
}

</mosaic_0001>

<sc_bundles>
// kernel: sparse-core-data-format-call.1.cloned.1.call-start
scs
called_computation.1_lowered:
.L_overlay_start_0:
0x0: {  	s2 =	sld [smem:$0x3FD9]  }
0x1: {  	s3 =	sld [smem:$0x3FFE];
	_ =	sdelay $0x1  }
0x2: {  	s1 =	srdreg.scid  }
0x3: {  	s0 =	sand.u32 $0x1, s1  }
0x4: {  	s19 =	sshll.u32 s0, $0xA;
	s2 =	sadd.s32 s3, s2  }
0x5: {  	s2 =	sadd.s32 s2, s19  }
0x6: {  	[smem:$0x3FC1] =	sst s2  }
0x7: {  	_ = 	snop  }
0x8: {  	s2 =	sld [smem:$0x3FC9]  }
0x9: {  	s20 =	sld [smem:$0x3FD0];
	(tm) =	ssettm $0x1  }
0xa: {  	s4 =	sld [smem:$0x3FFB];
	_ =	sdelay $0x3  }
0xb: {  	_ =	strace s4  }
0xc: {  	s4 =	sld [smem:$0x3FFC];
	_ =	sdelay $0x3  }
0xd: {  	_ =	strace s4  }
0xe: {  	s4 =	sld [smem:$0x3FFD];
	_ =	sdelay $0x3  }
0xf: {  	_ =	strace s4  }
0x10: {  	_ =	strace $0x8FFFFFFF  }
0x11: {  	s21 =	sld [smem:$0x3FDB];
	_ =	sdelay $0x1  }
0x12: {  	s5 =	simm.s32 $_scs_section_size  }
0x13: {  	s6 =	simm.s32 $_size__tile_overlayer_lowered;
	s7 =	simm.s32 $_tile_overlayer_lowered  }
0x14: {  	s24 =	simm.s32 $0x1BFF;
	s23 =	sshll.u32 s7, $0x1;
	s4 =	sadd.s32 s5, s21  }
0x15: {  	s8 =	simm.s32 $0x0;
	s22 =	sshll.u32 s6, $0x1;
	s6 =	sadd.s32 s23, s4  }
0x16: {  	[timem:s8], [sflag:s24] =	dma.local [hbm:s6], s22  }
0x17: {  	_ =	swait.ge [sflag:s24], s22  }
0x18: {  	s5 =	ssub.s32 $0x0, s22;
	[sflag:s24] =	ssyncset.done $0x0  }
0x19: {  	[sflag:s24] =	ssyncadd.s32 s5;
	_ =	sdelay $0x1  }
0x1a: {  	s25 =	simm.s32 $0x1B8B  }
0x1b: {  	_ =	swait.ge [sflag:s25], $0x1  }
0x1c: {  	[sflag:s25] =	ssyncset.done $0x0  }
0x1d: {  	s26 =	simm.s32 $0x1B8E;
	[sflag:s25] =	ssyncadd.s32 $0xFFFFFFFF  }
0x1e: {  	s27 =	simm.s32 $execute0_lowered;
	[smem:$0x3FD2] =	sst s26  }
0x1f: {  	s5 =	sshll.u32 s27, $0x1;
	_ =	strace $0x80000046;
	[dreg:$0x1] =	wrdreg $0xFFFFFFFF  }
0x20: {  	s28 =	simm.s32 $_size_execute0_lowered;
	s4 =	sadd.s32 s4, s5;
	[dreg:$0x0] =	wrdreg $0x0  }
0x21: {  	s5 =	sshll.u32 s28, $0x1;
	[dreg:$0x2] =	wrdreg s4  }
0x22: {  	[dreg:$0x3] =	wrdreg s5  }
0x23: {  	[dreg:$0x4] =	wrdreg $0xC0  }
0x24: {  	_ =	task [dreg:s8], $0x5FFFF  }
0x25: {  	[dreg:$0x1] =	wrdreg $0xFFFFFFFF  }
0x26: {  	[dreg:$0x0] =	wrdreg $0x60  }
0x27: {  	[dreg:$0x2] =	wrdreg s2  }
0x28: {  	[dreg:$0x3] =	wrdreg s20  }
0x29: {  	[dreg:$0x4] =	wrdreg $0x9  }
0x2a: {  	_ =	task.clear_ibuf [dreg:s8], $0x5FFFF;
	_ =	strace $0x90000046  }
0x2b: {  	s29 =	simm.s32 $0x9;
	_ =	strace $0x80000048  }
0x2c: {  	_ =	swait.ge [sflag:s29], $0x1  }
0x2d: {  	[sflag:s29] =	ssyncadd.s32 $0xFFFFFFFF  }
0x2e: {  	_ =	strace $0x90000048  }
0x2f: {  	_ =	sfence  }
0x30: {  	s30 =	sld [smem:$0x0];
	_ =	sdelay $0x2  }
0x31: {  	s31 =	sshll.u32 s1, $0xD;
	s1 =	sshrl.u32 s1, $0x2  }
0x32: {  	s3 =	sand.u32 $0x4000, s31;
	s1 =	sadd.s32 s1, s30  }
0x33: {  	s0 =	sor.u32 s3, s0;
	s1 =	sshll.u32 s1, $0x11  }
0x34: {  	s0 =	sor.u32 s1, s0  }
0x35: {  	s0 =	sadd.s32 $0x8F2B, s0  }
0x36: {  	[sflag:s0] =	ssyncadd.remote.s32 $0x1  }
0x37: {  	_ =	sfence.sel $0xFFFF  }
0x38: {  	[dreg:$0x0] =	wrdreg $0xFFFFFFFF;
	(pc) =	sbr.abs _section_cstart, $3  }
0x39: {  	[dreg:$0x1] =	wrdreg $0xFFFFFFFF  }
0x3a: {  	_ =	task.clear_ibuf [dreg:s8], $0x2FFFF;
	_ =	strace $0x9FFFFFFF  }
0x3b: {  	(tm) =	ssettm $0x7FFFFFFF  }
tec
execute0_lowered:
.L_overlay_start_1:
0x0: {  	(tag) =	ssettag $0x1  }
0x1: {  	s0 =	srdreg.scid  }
0x2: {  	s1 =	sshll.u32 s0, $0x4  }
0x3: {  	s2 =	rddreg [dreg:$0x0];
	s0 =	stileid.u32;
	s1 =	sand.u32 $0x10, s1  }
0x4: {  	s4 =	rddreg [dreg:$0x1];
	s1 =	sor.u32 s0, s1  }
0x5: {  	s7 =	simm.s32 $0x1;
	s8 =	simm.s32 $0x2;
	s3 =	sshll.u32 s1, $0x7  }
0x6: {  	s11 =	simm.s32 $0x0;
	s10 =	simm.s32 $0x0;
	s6 =	ssub.s32 $0x10000, s3  }
.Ltmp0:
0x7: {  	s1 =	rddreg [dreg:$0x2];
	s5 =	sand.u32 $0xF80, s6;
	(pc) =	sbr.rel .LBB1_1-.Ltmp0, $4  }
0x8: {  	_ =	strace $0x80000047;
	s9 =	smov.u32 s3;
	p0 =	sne.s32 s5, $0x0  }
0x9: {  	s6 =	sshrl.u32 s6, $0xC;
	s5 =	simm.s32 $0x1;
	s7 =	simm.s32 @!p0 $0x0  }
0xa: {  	[sflag:s5] =	ssyncpa.u1 $0x0;
	p0 =	por $0x0, $0x0;
	s6 =	sadd.s32 s7, s6  }
0xb: {  	[sflag:s8] =	ssyncpa.u1 $0x0;
	s8 =	simm.s32 $0x80000;
	s7 =	sadd.s32 $0x1, s6  }
.LBB1_4:
0xc: {  	v5 =	vld [tilespmem:s15+$0xFFFFFFD0];
	[tilespmem:s14+$0x2040 ss:$0x81] =	vst.msk $0xffff, v1  }
0xd: {  	v58 =	vld [tilespmem:s15+$0xFFFFFFE0];
	[tilespmem:s14+$0x2850 ss:$0x81] =	vst.msk $0xffff, v2  }
0xe: {  	s16 =	sshra.s32 s16, $0x2;
	v59 =	vld [tilespmem:s15+$0xFFFFFFF0];
	[tilespmem:s14+$0x3060 ss:$0x81] =	vst.msk $0xffff, v3  }
0xf: {  	v60 =	vld [tilespmem:s15+$0x0];
	[tilespmem:s14+$0x0 ss:$0x81] =	vst.msk $0xffff, v0;
	s13 =	sadd.s32 s16, s13  }
0x10: {  	v61 =	vld [tilespmem:s15+$0x10];
	[tilespmem:s13+$0x3870 ss:$0x81] =	vst.msk $0xffff, v4  }
0x11: {  	v62 =	vld [tilespmem:s15+$0x20];
	[tilespmem:s13+$0x810 ss:$0x81] =	vst.msk $0xffff, v5  }
0x12: {  	v63 =	vld [tilespmem:s15+$0xFFFFFFC0];
	[tilespmem:s13+$0x1020 ss:$0x81] =	vst.msk $0xffff, v58  }
0x13: {  	s27 =	sshll.u32 s11, $0x3;
	[tilespmem:s13+$0x1830 ss:$0x81] =	vst.msk $0xffff, v59  }
0x14: {  	s28 =	sand.u32 $0x78, s11;
	s14 =	sand.u32 $0xFC00, s27;
	[tilespmem:s13+$0x2040 ss:$0x81] =	vst.msk $0xffff, v60  }
0x15: {  	s29 =	sand.u32 $0xFE000, s11;
	s30 =	sand.u32 $0x7, s11;
	s14 =	sor.u32 s28, s14;
	[tilespmem:s13+$0x2850 ss:$0x81] =	vst.msk $0xffff, v61  }
0x16: {  	s15 =	sadd.s32 s4, s29;
	s11 =	sshll.u32 s30, $0x12;
	s14 =	sshrl.u32 s14, $0x3;
	[tilespmem:s13+$0x3060 ss:$0x81] =	vst.msk $0xffff, v62  }
0x17: {  	s11 =	sor.u32 $0x400, s11;
	s31 =	sadd.s32 s14, s15;
	[tilespmem:s13+$0x0 ss:$0x81] =	vst.msk $0xffff, v63  }
0x18: {  	[hbm4b:s31+s11] =	stream.strided.scatter [tilespmem:s12], [sflag:$0x2], $0x4000, s8, s11, $0x20;
	[tilespmem:$0x10100] =	vst v63  }
.LBB1_5:
0x19: {  	s13 =	sadd.s32 $0x1000, s9  }
0x1a: {  	p2 =	sgt.s32 s13, $0xFFFF  }
0x1b: {  	s13 =	smov.u32 @p2 s3;
	p2 =	sne.s32 s10, s7  }
.Ltmp1:
0x1c: {  	p1 =	slt.u32 s10, $0x2;
	(pc) =	sbr.rel @!p2 .LBB1_6-.Ltmp1, $4  }
0x1d: {  	s12 =	simm.s32 @!p1 $0x2  }
0x1e: {  	s14 =	sadd.s32 $0x1, s10;
	_ =	swait.ge @!p1 [sflag:s12], $0x4000  }
0x1f: {  	s11 =	smov.u32 s9;
	p0 =	por !p0, !p0;
	[sflag:s12] =	ssyncset.done @!p1 $0x0  }
0x20: {  	s10 =	smov.u32 s14;
	s9 =	smov.u32 s13;
	[sflag:s12] =	ssyncadd.s32 @!p1 $0xFFFFC000  }
.LBB1_1:
0x21: {  	p1 =	sge.u32 s10, s6  }
0x22: {  	s12 =	sxor.u32 @!p1 $0xFFFFFFFF, s10;
	s13 =	sshll.u32 @!p1 s9, $0x4  }
0x23: {  	s31 =	sadd.s32 $0xFFFFFFFF, s10;
	s12 =	sshll.u32 @!p1 s12, $0xE;
	s13 =	sand.u32 @!p1 $0xFFFF0, s13  }
0x24: {  	s14 =	simm.s32 @!p1 $0x0;
	s12 =	sand.u32 @!p1 $0x4000, s12;
	s13 =	sadd.s32 @!p1 s2, s13  }
0x25: {  	[tilespmem:s12], [sflag:$0x1] =	stream.linear.gather @!p1 [hbm4b:s13+s14], $0x4000, $0x38;
	[tilespmem:$0x10100] =	vst v63  }
0x26: {  	p1 =	sge.u32 s31, s6  }
.Ltmp2:
0x27: {  	_ = 	snop;
	(pc) =	sbr.rel @p1 .LBB1_5-.Ltmp2, $1  }
0x28: {  	_ =	sdelay $0x3  }
0x29: {  	s12 =	simm.s32 $0x1  }
0x2a: {  	_ =	swait.ge [sflag:s5], $0x4000;
	s12 =	simm.s32 @!p0 $0x0  }
0x2b: {  	[sflag:s5] =	ssyncset.done $0x0;
	s13 =	sshll.u32 s12, $0xE  }
0x2c: {  	[sflag:s5] =	ssyncadd.s32 $0xFFFFC000;
	s15 =	sor.u32 $0x40, s13  }
0x2d: {  	s12 =	smul.u32 $0x10200, s12;
	v0 =	vld [tilespmem:s15+$0x30]  }
0x2e: {  	v3 =	vld [tilespmem:s15+$0xFFFFFFD0]  }
0x2f: {  	s12 =	sshrl.u32 s12, $0x2;
	v4 =	vld [tilespmem:s15+$0xFFFFFFE0]  }
0x30: {  	v5 =	vld [tilespmem:s15+$0xFFFFFFF0];
	s13 =	sor.u32 $0x8000, s12  }
0x31: {  	s31 =	sand.u32 $0x1, s10;
	v1 =	vld [tilespmem:s15+$0x0];
	s14 =	sadd.s32 $0x0, s13  }
0x32: {  	v2 =	vld [tilespmem:s15+$0x10];
	s12 =	smul.u32 $0x10200, s31;
	[tilespmem:s14+$0x3870 ss:$0x81] =	vst.msk $0xffff, v0  }
0x33: {  	[tilespmem:s14+$0x810 ss:$0x81] =	vst.msk $0xffff, v3;
	v3 =	vld [tilespmem:s15+$0x20]  }
0x34: {  	s12 =	sshrl.u32 s12, $0x2;
	v0 =	vld [tilespmem:s15+$0xFFFFFFC0];
	[tilespmem:s14+$0x1020 ss:$0x81] =	vst.msk $0xffff, v4;
	s15 =	sadd.s32 $0x80, s15  }
0x35: {  	s16 =	simm.s32 $0x4;
	s17 =	simm.s32 $0x8;
	s12 =	sor.u32 $0x8000, s12;
	[tilespmem:s14+$0x1830 ss:$0x81] =	vst.msk $0xffff, v5;
	v4 =	vld [tilespmem:s15+$0x30]  }
.LBB1_3:
0x36: {  	p1 =	sne.s32 s17, $0x1FC;
	v5 =	vld [tilespmem:s15+$0xFFFFFFD0];
	[tilespmem:s14+$0x2040 ss:$0x81] =	vst.msk $0xffff, v1  }
0x37: {  	v6 =	vld [tilespmem:s15+$0xFFFFFFE0];
	[tilespmem:s14+$0x2850 ss:$0x81] =	vst.msk $0xffff, v2  }
0x38: {  	s18 =	sshra.s32 s16, $0x2;
	s16 =	smov.u32 s17;
	v7 =	vld [tilespmem:s15+$0xFFFFFFF0];
	[tilespmem:s14+$0x3060 ss:$0x81] =	vst.msk $0xffff, v3  }
.Ltmp3:
0x39: {  	v1 =	vld [tilespmem:s15+$0x0];
	[tilespmem:s14+$0x0 ss:$0x81] =	vst.msk $0xffff, v0;
	s14 =	sadd.s32 s18, s13;
	(pc) =	sbr.rel @p1 .LBB1_3-.Ltmp3, $4  }
0x3a: {  	v2 =	vld [tilespmem:s15+$0x10];
	[tilespmem:s14+$0x3870 ss:$0x81] =	vst.msk $0xffff, v4  }
0x3b: {  	[tilespmem:s14+$0x810 ss:$0x81] =	vst.msk $0xffff, v5;
	v3 =	vld [tilespmem:s15+$0x20]  }
0x3c: {  	v0 =	vld [tilespmem:s15+$0xFFFFFFC0];
	[tilespmem:s14+$0x1020 ss:$0x81] =	vst.msk $0xffff, v6;
	s15 =	sadd.s32 $0x80, s15  }
0x3d: {  	s17 =	sadd.s32 $0x4, s17;
	v4 =	vld [tilespmem:s15+$0x30];
	[tilespmem:s14+$0x1830 ss:$0x81] =	vst.msk $0xffff, v7  }
.Ltmp4:
0x3e: {  	_ = 	snop;
	(pc) =	sbr.rel .LBB1_4-.Ltmp4, $1  }
0x3f: {  	_ =	sdelay $0x3  }
.LBB1_6:
0x40: {  	_ =	sfence.sel $0x180000  }
0x41: {  	s2 =	simm.s32 $0x1;
	[bflag:$0x0] =	sbarrier.arrive $0xFFFF  }
0x42: {  	s31 =	simm.s32 $0x2;
	[sflag:s2] =	ssyncpa.u1 $0x1  }
0x43: {  	[sflag:s31] =	ssyncpa.u1 $0x1  }
0x44: {  	p0 =	sne.s32 s0, $0x0;
	_ =	strace $0x90000047  }
0x45: {  	s0 =	sadd.s32 @!p0 $0x100000, s1;
	[bflag:$0x2] =	sbarrier.arrive $0xFFFF  }
0x46: {  	[sflag:s0] =	ssyncadd.tile.s32 @!p0 $0x1;
	_ =	shalt  }
.Lfunc_end1:
_tile_overlayer_lowered:
.L_overlay_start_2:
0x47: {  	(tag) =	ssettag $0x2  }
0x48: {  	s0 =	rddreg [dreg:$0x0];
	s2 =	stileid.u32  }
0x49: {  	s1 =	rddreg [dreg:$0x1];
	p0 =	sne.s32 s2, $0x0  }
0x4a: {  	s3 =	rddreg [dreg:$0x2];
	[bflag:$0x3] =	sbarrier.arrive $0xFFFF;
	s2 =	simm.s32 @!p0 $0x1C01  }
0x4b: {  	[timem:s3], [sflag:s2] =	dma.local @!p0 [hbm:s0], s1  }
0x4c: {  	s0 =	simm.s32 @!p0 $0x1  }
0x4d: {  	_ =	swait.ge @!p0 [sflag:s0], s1  }
0x4e: {  	s1 =	ssub.s32 @!p0 $0x0, s1;
	[sflag:s0] =	ssyncset.done @!p0 $0x0  }
0x4f: {  	[sflag:s0] =	ssyncadd.s32 @!p0 s1  }
0x50: {  	[bflag:$0x3] =	sbarrier.arrive $0xFFFF  }
0x51: {  	_ =	shalt  }

// kernel: sparse-core-data-format-call.cloned.1.call-start
scs
called_computation_lowered:
.L_overlay_start_0:
0x0: {  	s2 =	sld [smem:$0x3FD9]  }
0x1: {  	s3 =	sld [smem:$0x3FFE];
	_ =	sdelay $0x1  }
0x2: {  	s1 =	srdreg.scid  }
0x3: {  	s0 =	sand.u32 $0x1, s1  }
0x4: {  	s18 =	sshll.u32 s0, $0xA;
	s2 =	sadd.s32 s3, s2  }
0x5: {  	s2 =	sadd.s32 s2, s18  }
0x6: {  	[smem:$0x3FC1] =	sst s2  }
0x7: {  	_ = 	snop  }
0x8: {  	s2 =	sld [smem:$0x3FD0];
	(tm) =	ssettm $0x1  }
0x9: {  	s19 =	sld [smem:$0x3FFB];
	_ =	sdelay $0x3  }
0xa: {  	_ =	strace s19  }
0xb: {  	s3 =	sld [smem:$0x3FFC];
	_ =	sdelay $0x3  }
0xc: {  	_ =	strace s3  }
0xd: {  	s3 =	sld [smem:$0x3FFD];
	_ =	sdelay $0x3  }
0xe: {  	_ =	strace s3  }
0xf: {  	_ =	strace $0x8FFFFFFF  }
0x10: {  	s20 =	sld [smem:$0x3FDB];
	_ =	sdelay $0x1  }
0x11: {  	s4 =	simm.s32 $_scs_section_size  }
0x12: {  	s5 =	simm.s32 $_size__tile_overlayer_lowered;
	s6 =	simm.s32 $_tile_overlayer_lowered  }
0x13: {  	s23 =	simm.s32 $0x1BFF;
	s22 =	sshll.u32 s6, $0x1;
	s3 =	sadd.s32 s4, s20  }
0x14: {  	s7 =	simm.s32 $0x0;
	s21 =	sshll.u32 s5, $0x1;
	s5 =	sadd.s32 s22, s3  }
0x15: {  	[timem:s7], [sflag:s23] =	dma.local [hbm:s5], s21  }
0x16: {  	_ =	swait.ge [sflag:s23], s21  }
0x17: {  	s4 =	ssub.s32 $0x0, s21;
	[sflag:s23] =	ssyncset.done $0x0  }
0x18: {  	[sflag:s23] =	ssyncadd.s32 s4;
	_ =	sdelay $0x1  }
0x19: {  	s24 =	simm.s32 $0x1B8B  }
0x1a: {  	_ =	swait.ge [sflag:s24], $0x1  }
0x1b: {  	[sflag:s24] =	ssyncset.done $0x0  }
0x1c: {  	s26 =	simm.s32 $0x1B8E;
	s25 =	sld [smem:$0x3FFE];
	[sflag:s24] =	ssyncadd.s32 $0xFFFFFFFF  }
0x1d: {  	s27 =	simm.s32 $execute0_lowered;
	[smem:$0x3FD2] =	sst s26  }
0x1e: {  	s5 =	sshll.u32 s27, $0x1;
	_ =	strace $0x80000049;
	[dreg:$0x1] =	wrdreg $0xFFFFFFFF  }
0x1f: {  	s28 =	simm.s32 $_size_execute0_lowered;
	s3 =	sadd.s32 s3, s5;
	[dreg:$0x0] =	wrdreg $0x0  }
0x20: {  	s5 =	sshll.u32 s28, $0x1;
	[dreg:$0x2] =	wrdreg s3  }
0x21: {  	[dreg:$0x3] =	wrdreg s5  }
0x22: {  	[dreg:$0x4] =	wrdreg $0xC0  }
0x23: {  	_ =	task [dreg:s7], $0x5FFFF  }
0x24: {  	[dreg:$0x1] =	wrdreg $0xFFFFFFFF  }
0x25: {  	[dreg:$0x0] =	wrdreg $0x60  }
0x26: {  	[dreg:$0x2] =	wrdreg s25  }
0x27: {  	[dreg:$0x3] =	wrdreg s2  }
0x28: {  	[dreg:$0x4] =	wrdreg $0x9  }
0x29: {  	_ =	task.clear_ibuf [dreg:s7], $0x5FFFF;
	_ =	strace $0x90000049  }
0x2a: {  	s29 =	simm.s32 $0x9;
	_ =	strace $0x8000004B  }
0x2b: {  	_ =	swait.ge [sflag:s29], $0x1  }
0x2c: {  	[sflag:s29] =	ssyncadd.s32 $0xFFFFFFFF  }
0x2d: {  	_ =	strace $0x9000004B  }
0x2e: {  	_ =	sfence  }
0x2f: {  	s30 =	sld [smem:$0x0];
	_ =	sdelay $0x2  }
0x30: {  	s31 =	sshll.u32 s1, $0xD;
	s1 =	sshrl.u32 s1, $0x2  }
0x31: {  	s3 =	sand.u32 $0x4000, s31;
	s1 =	sadd.s32 s1, s30  }
0x32: {  	s0 =	sor.u32 s3, s0;
	s1 =	sshll.u32 s1, $0x11  }
0x33: {  	s0 =	sor.u32 s1, s0  }
0x34: {  	s0 =	sadd.s32 $0x8F2B, s0  }
0x35: {  	[sflag:s0] =	ssyncadd.remote.s32 $0x1  }
0x36: {  	_ =	sfence.sel $0xFFFF  }
0x37: {  	[dreg:$0x0] =	wrdreg $0xFFFFFFFF;
	(pc) =	sbr.abs _section_cstart, $3  }
0x38: {  	[dreg:$0x1] =	wrdreg $0xFFFFFFFF  }
0x39: {  	_ =	task.clear_ibuf [dreg:s7], $0x2FFFF;
	_ =	strace $0x9FFFFFFF  }
0x3a: {  	(tm) =	ssettm $0x7FFFFFFF  }
0x3b: {  	_ =	shalt  }
tec
execute0_lowered:
.L_overlay_start_1:
0x0: {  	(tag) =	ssettag $0x1  }
0x1: {  	s0 =	srdreg.scid  }
0x2: {  	s5 =	rddreg [dreg:$0x0];
	s1 =	sshll.u32 s0, $0x4  }
0x3: {  	s2 =	rddreg [dreg:$0x1];
	s0 =	stileid.u32;
	s1 =	sand.u32 $0x10, s1  }
0x4: {  	s4 =	simm.s32 $0x1;
	s8 =	simm.s32 $0x2;
	s1 =	sor.u32 s0, s1  }
0x5: {  	s12 =	simm.s32 $0x0;
	s11 =	simm.s32 $0x0;
	s3 =	sshll.u32 s1, $0x7  }
0x6: {  	s9 =	simm.s32 $0x0;
	s10 =	simm.s32 $0x0;
	s6 =	ssub.s32 $0x10000, s3  }
.Ltmp0:
0x7: {  	s1 =	rddreg [dreg:$0x2];
	s7 =	sand.u32 $0xF80, s6;
	(pc) =	sbr.rel .LBB1_1-.Ltmp0, $4  }
0x8: {  	_ =	strace $0x8000004A;
	p0 =	sne.s32 s7, $0x0;
	s7 =	simm.s32 $0x1  }
0x9: {  	[sflag:s4] =	ssyncpa.u1 $0x0;
	s6 =	sshrl.u32 s6, $0xC;
	s7 =	simm.s32 @!p0 $0x0  }
0xa: {  	s5 =	sadd.s32 $0x1A00, s5;
	[sflag:s8] =	ssyncpa.u1 $0x0;
	s6 =	sadd.s32 s7, s6  }
0xb: {  	s8 =	smov.u32 s3;
	p0 =	por $0x0, $0x0;
	s7 =	sadd.s32 $0x1, s6  }
.LBB1_4:
0xc: {  	v5 =	vld [tilespmem:s16+$0xFFFFFFD0];
	[tilespmem:s15+$0x2040 ss:$0x81] =	vst.msk $0xffff, v1  }
0xd: {  	v58 =	vld [tilespmem:s16+$0xFFFFFFE0];
	[tilespmem:s15+$0x2850 ss:$0x81] =	vst.msk $0xffff, v2  }
0xe: {  	s17 =	sshra.s32 s17, $0x2;
	v59 =	vld [tilespmem:s16+$0xFFFFFFF0];
	[tilespmem:s15+$0x3060 ss:$0x81] =	vst.msk $0xffff, v3  }
0xf: {  	v60 =	vld [tilespmem:s16+$0x0];
	[tilespmem:s15+$0x0 ss:$0x81] =	vst.msk $0xffff, v0;
	s14 =	sadd.s32 s17, s14  }
0x10: {  	v61 =	vld [tilespmem:s16+$0x10];
	[tilespmem:s14+$0x3870 ss:$0x81] =	vst.msk $0xffff, v4  }
0x11: {  	v62 =	vld [tilespmem:s16+$0x20];
	s12 =	sshll.u32 s12, $0x7;
	s28 =	sshll.u32 s11, $0x3;
	[tilespmem:s14+$0x810 ss:$0x81] =	vst.msk $0xffff, v5  }
0x12: {  	v63 =	vld [tilespmem:s16+$0xFFFFFFC0];
	s29 =	sand.u32 $0x7FFC00, s12;
	s15 =	sand.u32 $0x7FFC00, s28;
	[tilespmem:s14+$0x1020 ss:$0x81] =	vst.msk $0xffff, v58  }
0x13: {  	s12 =	sand.u32 $0x380, s12;
	s15 =	sadd.s32 s15, s29;
	[tilespmem:s14+$0x1830 ss:$0x81] =	vst.msk $0xffff, v59  }
0x14: {  	s30 =	sshrl.u32 s11, $0x3;
	s12 =	sor.u32 s12, s15;
	[tilespmem:s14+$0x2040 ss:$0x81] =	vst.msk $0xffff, v60  }
0x15: {  	s15 =	sand.u32 $0xF, s30;
	s12 =	sshrl.u32 s12, $0x3;
	[tilespmem:s14+$0x2850 ss:$0x81] =	vst.msk $0xffff, v61  }
0x16: {  	s15 =	sadd.s32 s2, s15;
	[tilespmem:s14+$0x3060 ss:$0x81] =	vst.msk $0xffff, v62;
	s12 =	sand.u32 $0xFFFF0, s12  }
0x17: {  	s31 =	sand.u32 $0x7, s11;
	[tilespmem:s14+$0x0 ss:$0x81] =	vst.msk $0xffff, v63;
	s12 =	sadd.s32 s12, s15  }
0x18: {  	[hbm4b:s12+s31] =	stream.linear.scatter [tilespmem:s13], [sflag:$0x2], $0x4000, $0x20;
	[tilespmem:$0x10100] =	vst v63  }
.LBB1_5:
0x19: {  	s13 =	sadd.s32 $0x1000, s8  }
0x1a: {  	s11 =	sadd.s32 $0x80, s9;
	s15 =	smov.u32 s9;
	p2 =	sgt.s32 s13, $0xFFFF  }
0x1b: {  	s15 =	smov.u32 @p2 s11  }
0x1c: {  	s13 =	smov.u32 @p2 s3;
	p2 =	sgt.s32 s15, $0x7F  }
0x1d: {  	s15 =	simm.s32 @p2 $0x0;
	p2 =	sne.s32 s10, s7  }
.Ltmp1:
0x1e: {  	p1 =	slt.u32 s10, $0x2;
	(pc) =	sbr.rel @!p2 .LBB1_6-.Ltmp1, $4  }
0x1f: {  	s14 =	simm.s32 @!p1 $0x2  }
0x20: {  	s12 =	smov.u32 s8;
	p0 =	por !p0, !p0;
	_ =	swait.ge @!p1 [sflag:s14], $0x4000  }
0x21: {  	s11 =	smov.u32 s9;
	[sflag:s14] =	ssyncset.done @!p1 $0x0;
	s8 =	smov.u32 s13  }
0x22: {  	s10 =	sadd.s32 $0x1, s10;
	[sflag:s14] =	ssyncadd.s32 @!p1 $0xFFFFC000;
	s9 =	smov.u32 s15  }
.LBB1_1:
0x23: {  	p1 =	sge.u32 s10, s6;
	s31 =	sadd.s32 $0xFFFFFFFF, s10  }
0x24: {  	s13 =	sand.u32 @!p1 $0x78, s8;
	s14 =	sshll.u32 @!p1 s9, $0x10;
	s15 =	sshll.u32 @!p1 s9, $0x7  }
0x25: {  	s16 =	sshll.u32 @!p1 s8, $0x3;
	s14 =	sand.u32 @!p1 $0x780000, s14;
	s15 =	sand.u32 @!p1 $0x380, s15  }
0x26: {  	s14 =	sadd.s32 @!p1 s14, s16;
	s16 =	sand.u32 @!p1 $0xFC00, s16;
	s13 =	sor.u32 @!p1 s15, s13  }
0x27: {  	s15 =	sxor.u32 @!p1 $0xFFFFFFFF, s10;
	s14 =	sand.u32 @!p1 $0x7F0000, s14;
	s13 =	sor.u32 @!p1 s16, s13  }
0x28: {  	s15 =	sshll.u32 @!p1 s15, $0xE;
	s13 =	sor.u32 @!p1 s14, s13;
	s14 =	sand.u32 @!p1 $0x7, s8  }
0x29: {  	s16 =	simm.s32 @!p1 $0x80000;
	s13 =	sshrl.u32 @!p1 s13, $0x3;
	s14 =	sshll.u32 @!p1 s14, $0x12  }
0x2a: {  	s15 =	sand.u32 @!p1 $0x4000, s15;
	s13 =	sadd.s32 @!p1 s5, s13;
	s14 =	sor.u32 @!p1 $0x400, s14  }
0x2b: {  	[tilespmem:s15], [sflag:$0x1] =	stream.strided.gather @!p1 [hbm4b:s13+s14], $0x4000, s16, s14, $0x38;
	[tilespmem:$0x10100] =	vst v63  }
0x2c: {  	p1 =	sge.u32 s31, s6  }
.Ltmp2:
0x2d: {  	_ = 	snop;
	(pc) =	sbr.rel @p1 .LBB1_5-.Ltmp2, $1  }
0x2e: {  	_ =	sdelay $0x3  }
0x2f: {  	s13 =	simm.s32 $0x1  }
0x30: {  	_ =	swait.ge [sflag:s4], $0x4000;
	s13 =	simm.s32 @!p0 $0x0  }
0x31: {  	[sflag:s4] =	ssyncset.done $0x0;
	s14 =	sshll.u32 s13, $0xE  }
0x32: {  	[sflag:s4] =	ssyncadd.s32 $0xFFFFC000;
	s16 =	sor.u32 $0x40, s14  }
0x33: {  	s13 =	smul.u32 $0x10200, s13;
	v0 =	vld [tilespmem:s16+$0x30]  }
0x34: {  	v3 =	vld [tilespmem:s16+$0xFFFFFFD0]  }
0x35: {  	s13 =	sshrl.u32 s13, $0x2;
	v4 =	vld [tilespmem:s16+$0xFFFFFFE0]  }
0x36: {  	v5 =	vld [tilespmem:s16+$0xFFFFFFF0];
	s14 =	sor.u32 $0x8000, s13  }
0x37: {  	s31 =	sand.u32 $0x1, s10;
	v1 =	vld [tilespmem:s16+$0x0];
	s15 =	sadd.s32 $0x0, s14  }
0x38: {  	v2 =	vld [tilespmem:s16+$0x10];
	s13 =	smul.u32 $0x10200, s31;
	[tilespmem:s15+$0x3870 ss:$0x81] =	vst.msk $0xffff, v0  }
0x39: {  	[tilespmem:s15+$0x810 ss:$0x81] =	vst.msk $0xffff, v3;
	v3 =	vld [tilespmem:s16+$0x20]  }
0x3a: {  	s13 =	sshrl.u32 s13, $0x2;
	v0 =	vld [tilespmem:s16+$0xFFFFFFC0];
	[tilespmem:s15+$0x1020 ss:$0x81] =	vst.msk $0xffff, v4;
	s16 =	sadd.s32 $0x80, s16  }
0x3b: {  	s17 =	simm.s32 $0x4;
	s18 =	simm.s32 $0x8;
	s13 =	sor.u32 $0x8000, s13;
	[tilespmem:s15+$0x1830 ss:$0x81] =	vst.msk $0xffff, v5;
	v4 =	vld [tilespmem:s16+$0x30]  }
.LBB1_3:
0x3c: {  	p1 =	sne.s32 s18, $0x1FC;
	v5 =	vld [tilespmem:s16+$0xFFFFFFD0];
	[tilespmem:s15+$0x2040 ss:$0x81] =	vst.msk $0xffff, v1  }
0x3d: {  	v6 =	vld [tilespmem:s16+$0xFFFFFFE0];
	[tilespmem:s15+$0x2850 ss:$0x81] =	vst.msk $0xffff, v2  }
0x3e: {  	s19 =	sshra.s32 s17, $0x2;
	s17 =	smov.u32 s18;
	v7 =	vld [tilespmem:s16+$0xFFFFFFF0];
	[tilespmem:s15+$0x3060 ss:$0x81] =	vst.msk $0xffff, v3  }
.Ltmp3:
0x3f: {  	v1 =	vld [tilespmem:s16+$0x0];
	[tilespmem:s15+$0x0 ss:$0x81] =	vst.msk $0xffff, v0;
	s15 =	sadd.s32 s19, s14;
	(pc) =	sbr.rel @p1 .LBB1_3-.Ltmp3, $4  }
0x40: {  	v2 =	vld [tilespmem:s16+$0x10];
	[tilespmem:s15+$0x3870 ss:$0x81] =	vst.msk $0xffff, v4  }
0x41: {  	[tilespmem:s15+$0x810 ss:$0x81] =	vst.msk $0xffff, v5;
	v3 =	vld [tilespmem:s16+$0x20]  }
0x42: {  	v0 =	vld [tilespmem:s16+$0xFFFFFFC0];
	[tilespmem:s15+$0x1020 ss:$0x81] =	vst.msk $0xffff, v6;
	s16 =	sadd.s32 $0x80, s16  }
0x43: {  	s18 =	sadd.s32 $0x4, s18;
	v4 =	vld [tilespmem:s16+$0x30];
	[tilespmem:s15+$0x1830 ss:$0x81] =	vst.msk $0xffff, v7  }
.Ltmp4:
0x44: {  	_ = 	snop;
	(pc) =	sbr.rel .LBB1_4-.Ltmp4, $1  }
0x45: {  	_ =	sdelay $0x3  }
.LBB1_6:
0x46: {  	_ =	sfence.sel $0x180000  }
0x47: {  	s2 =	simm.s32 $0x1;
	[bflag:$0x0] =	sbarrier.arrive $0xFFFF  }
0x48: {  	s31 =	simm.s32 $0x2;
	[sflag:s2] =	ssyncpa.u1 $0x1  }
0x49: {  	[sflag:s31] =	ssyncpa.u1 $0x1  }
0x4a: {  	p0 =	sne.s32 s0, $0x0;
	_ =	strace $0x9000004A  }
0x4b: {  	s0 =	sadd.s32 @!p0 $0x100000, s1;
	[bflag:$0x2] =	sbarrier.arrive $0xFFFF  }
0x4c: {  	[sflag:s0] =	ssyncadd.tile.s32 @!p0 $0x1;
	_ =	shalt  }
.Lfunc_end1:
_tile_overlayer_lowered:
.L_overlay_start_2:
0x4d: {  	(tag) =	ssettag $0x2  }
0x4e: {  	s0 =	rddreg [dreg:$0x0];
	s2 =	stileid.u32  }
0x4f: {  	s1 =	rddreg [dreg:$0x1];
	p0 =	sne.s32 s2, $0x0  }
0x50: {  	s3 =	rddreg [dreg:$0x2];
	[bflag:$0x3] =	sbarrier.arrive $0xFFFF;
	s2 =	simm.s32 @!p0 $0x1C01  }
0x51: {  	[timem:s3], [sflag:s2] =	dma.local @!p0 [hbm:s0], s1  }
0x52: {  	s0 =	simm.s32 @!p0 $0x1  }
0x53: {  	_ =	swait.ge @!p0 [sflag:s0], s1  }
0x54: {  	s1 =	ssub.s32 @!p0 $0x0, s1;
	[sflag:s0] =	ssyncset.done @!p0 $0x0  }
0x55: {  	[sflag:s0] =	ssyncadd.s32 @!p0 s1  }
0x56: {  	[bflag:$0x3] =	sbarrier.arrive $0xFFFF  }
0x57: {  	_ =	shalt  }

</sc_bundles>
